<compile_context>
chip_gen: v7x
topology: tpu7x:2x2x1
jax: 0.10.2.dev20260603
libtpu: 0.0.44.dev20260713+nightly
codegen_flags: <defaults>
</compile_context>

<pallas_src>
import functools
import math

import jax
import jax.numpy as jnp
from jax import lax
from jax.experimental import pallas as pl
from jax.experimental.pallas import tpu as pltpu
from jax.experimental.pallas import tpu_sc as plsc

TAU_FEAT = 0.2
TAU_SIM = 0.1
EPS = 1e-12
A_ATTN, A_ENT, A_MUT = 1.0, 0.4, 0.6
K_MAX = 64

_SC_CORES = 2
_SC_SUBCORES = 16
_NW = _SC_CORES * _SC_SUBCORES


def _make_score_topk_kernel(b, n, c, h):
    n1 = n - 1
    ln_c = math.log(c + EPS)
    ln_n1 = math.log(n1 + EPS)
    lanes = n1 // 8

    def body(a_ref, k_ref, idx_ref, fscr):
        i = pl.program_id(0)

        @pl.when(i < b)
        def _score():
            a = a_ref[0]
            x = k_ref[0][1:, :]
            xt = jnp.transpose(x)

            s_attn = jnp.mean(a, axis=1, keepdims=True)

            ft = x / TAU_FEAT
            m1 = jnp.max(ft, axis=1, keepdims=True)
            e1 = jnp.exp(ft - m1)
            s1 = jnp.sum(e1, axis=1, keepdims=True)
            p = jnp.maximum(e1 / s1, EPS)
            h_ent = -jnp.sum(p * jnp.log(p), axis=1, keepdims=True) / ln_c

            nl = jnp.sqrt(jnp.sum(x * x, axis=1, keepdims=True)) + EPS
            zl = x / nl
            zr = xt / jnp.reshape(nl, (1, n1))
            sim = lax.dot_general(zl, zr, (((1,), (0,)), ((), ())),
                                  preferred_element_type=jnp.float32)

            rows = lax.broadcasted_iota(jnp.int32, (n1, n1), 0)
            cols = lax.broadcasted_iota(jnp.int32, (n1, n1), 1)
            sim = jnp.where(rows == cols, -1e9, sim)

            st = sim / TAU_SIM
            m2 = jnp.max(st, axis=1, keepdims=True)
            e2 = jnp.exp(st - m2)
            s2 = jnp.sum(e2, axis=1, keepdims=True)
            q = jnp.maximum(e2 / s2, EPS)
            h_sim = -jnp.sum(q * jnp.log(q), axis=1, keepdims=True) / ln_n1
            i_mut = 1.0 - h_sim

            def _z(v):
                mu = jnp.mean(v)
                var = jnp.sum((v - mu) * (v - mu)) / (n1 - 1)
                return (v - mu) / (jnp.sqrt(var) + EPS)

            fused = A_ATTN * _z(s_attn) + A_ENT * _z(h_ent) + A_MUT * _z(i_mut)
            fscr[i] = jnp.reshape(fused, (8, lanes))

        @pl.when(i == b)
        def _select():
            ids = (lax.broadcasted_iota(jnp.int32, (8, lanes), 0) * lanes
                   + lax.broadcasted_iota(jnp.int32, (8, lanes), 1))

            def step(k, carry):
                fs, accs = carry
                new_fs = []
                new_accs = list(accs)
                for bb in range(b):
                    f = fs[bb]
                    m = jnp.max(f, axis=(0, 1), keepdims=True)
                    sel = jnp.min(jnp.where(f == m, ids, n1),
                                  axis=(0, 1), keepdims=True)
                    at_pos = ids == (k + K_MAX * (bb % 2))
                    new_accs[bb // 2] = jnp.where(
                        at_pos, sel + (1 + bb * n), new_accs[bb // 2])
                    new_fs.append(jnp.where(ids == sel, -jnp.inf, f))
                return tuple(new_fs), tuple(new_accs)

            zero = jnp.zeros((8, lanes), jnp.int32)
            _, accs = lax.fori_loop(
                0, K_MAX, step,
                (tuple(fscr[bb] for bb in range(b)), (zero,) * (b // 2)))
            for pp in range(b // 2):
                idx_ref[pp:pp + 1, :] = accs[pp][0:1, :]

    return body


def _score_topk(attn_clst, keys, interpret=False):
    b, n1, h = attn_clst.shape
    n, c = keys.shape[1], keys.shape[2]
    last = b

    return pl.pallas_call(
        _make_score_topk_kernel(b, n, c, h),
        grid=(b + 1,),
        in_specs=[
            pl.BlockSpec((1, n1, h), lambda i: (jnp.minimum(i, last - 1), 0, 0)),
            pl.BlockSpec((1, n, c), lambda i: (jnp.minimum(i, last - 1), 0, 0)),
        ],
        out_specs=pl.BlockSpec((b // 2, 2 * K_MAX), lambda i: (0, 0)),
        out_shape=jax.ShapeDtypeStruct((b // 2, 2 * K_MAX), jnp.int32),
        scratch_shapes=[pltpu.VMEM((b, 8, n1 // 8), jnp.float32)],
        compiler_params=pltpu.CompilerParams(
            dimension_semantics=("arbitrary",),
        ),
        interpret=interpret,
    )(attn_clst, keys)


def _make_sc_gather(v_rows, d, b_tot):
    assert d % 16 == 0 and b_tot % (8 * _NW) == 0
    b_per_w = b_tot // _NW
    mesh = plsc.VectorSubcoreMesh(core_axis_name="c", subcore_axis_name="s")

    @functools.partial(
        pl.kernel,
        mesh=mesh,
        out_type=jax.ShapeDtypeStruct((b_tot, d), jnp.float32),
        scratch_types=[
            pltpu.VMEM((b_per_w,), jnp.int32),
            pltpu.VMEM((b_per_w, d), jnp.float32),
            pltpu.SemaphoreType.DMA,
        ],
        compiler_params=pltpu.CompilerParams(use_tc_tiling_on_sc=False),
    )
    def gather(table_hbm, idx_hbm, out_hbm, idx_v, rows_v, sem):
        wid = lax.axis_index("s") * _SC_CORES + lax.axis_index("c")
        base = wid * b_per_w
        pltpu.sync_copy(idx_hbm.at[pl.ds(base, b_per_w)], idx_v)
        pltpu.async_copy(table_hbm.at[idx_v], rows_v, sem).wait()
        pltpu.sync_copy(rows_v, out_hbm.at[pl.ds(base, b_per_w)])

    return gather


def kernel(hidden, attn, keys):
    b, n, c = hidden.shape
    attn_clst = jnp.transpose(attn[:, :, 0, 1:], (0, 2, 1))

    gidx = _score_topk(attn_clst, keys).reshape(-1)

    table = hidden.reshape(b * n, c)
    rows = _make_sc_gather(b * n, c, b * K_MAX)(table, gidx)
    dominant = rows.reshape(b, K_MAX, c)
    return jnp.concatenate([hidden[:, :1, :], dominant], axis=1)

# --- scband reference (transcript-rebuilt; emitter-appended) ---
"""Pipeline reference for scband-vision-zip-compressor-28278064677485 (READ-ONLY COPY).

The authoritative reference and input builder live on the scoring server;
editing this copy changes nothing except your own understanding.
"""

import jax, jax.numpy as jnp
import numpy as np
import math

B, N, C, H = 4, 1025, 192, 12
TAU_FEAT = 0.2
TAU_SIM = 0.1
EPS = 1e-12
A_ATTN, A_ENT, A_MUT = 1.0, 0.4, 0.6
K_MAX = 64


def _normalize_l2(x, eps=1e-12):
    return x / (jnp.linalg.norm(x, axis=-1, keepdims=True) + eps)


def _safe_softmax(x, tau, eps=1e-12):
    return jnp.clip(jax.nn.softmax(x / max(tau, eps), axis=-1), eps, None)


def _zscore(x, eps=1e-12):
    m = x.mean(axis=1, keepdims=True)
    s = x.std(axis=1, keepdims=True, ddof=1) + eps
    return (x - m) / s


def setup_inputs(seed: int = 0) -> dict:
    key = jax.random.key(seed)
    k1, k2, k3 = jax.random.split(key, 3)
    hidden = jax.random.normal(k1, (B, N, C), dtype=jnp.float32)
    attn = jax.random.uniform(k2, (B, H, N, N), dtype=jnp.float32)
    keys = jax.random.normal(k3, (B, N, C), dtype=jnp.float32)
    return {"hidden": hidden, "attn": attn, "keys": keys}


def reference(hidden, attn, keys):
    # LayerwiseHybridScorer._single_layer_hybrid (single scoring layer, no gating)
    s_attn = attn[:, :, 0, 1:].mean(axis=1)              # [B, N-1] CLS-attention score
    x = keys[:, 1:, :].astype(jnp.float32)               # [B, N-1, C]
    p = _safe_softmax(x, TAU_FEAT, EPS)
    Hent = -(p * jnp.log(p)).sum(axis=-1) / math.log(x.shape[-1] + EPS)
    z = _normalize_l2(x, EPS)
    sim = jnp.einsum('bnc,bmc->bnm', z, z)               # [B, N-1, N-1]
    n1 = sim.shape[-1]
    eye = jnp.eye(n1, dtype=bool)[None, :, :]
    sim = jnp.where(eye, -1e9, sim)
    q = _safe_softmax(sim, TAU_SIM, EPS)
    Hsim = -(q * jnp.log(q)).sum(axis=-1) / math.log(n1 + EPS)
    I = 1.0 - Hsim
    fused = A_ATTN * _zscore(s_attn, EPS) + A_ENT * _zscore(Hent, EPS) + A_MUT * _zscore(I, EPS)
    # dominant token selection (skip_ctx_merge=True in default cfg): CLS + top-k_max tokens
    vals, idx = jax.lax.top_k(fused, K_MAX)              # [B, K]
    dominant = jnp.take_along_axis(hidden[:, 1:, :], idx[:, :, None], axis=1)  # [B, K, C]
    out = jnp.concatenate([hidden[:, :1, :], dominant], axis=1)                # [B, 1+K, C]
    return out

if __name__ == "__main__":
    import jax
    _d = setup_inputs()
    print(jax.jit(kernel)(*tuple(_d.values())))

</pallas_src>

<mosaic_0001>
#map = affine_map<(d0, d1) -> (0, 0)>
#map1 = affine_map<(d0, d1) -> (0)>
module attributes {stable_mosaic.version = 14 : i64} {
  func.func @gather(%arg0: i32, %arg1: i32, %arg2: memref<4100x192xf32, #tpu.memory_space<hbm>>, %arg3: memref<256xi32, #tpu.memory_space<hbm>>, %arg4: memref<256x192xf32, #tpu.memory_space<hbm>>, %arg5: memref<8xi32, #tpu.memory_space<vmem>>, %arg6: memref<8x192xf32, #tpu.memory_space<vmem>>, %arg7: memref<!tpu.dma_semaphore, #tpu.memory_space<semaphore_mem>>) attributes {dimension_semantics = [#tpu.dimension_semantics<core_parallel>, #tpu.dimension_semantics<subcore_parallel>], iteration_bounds = array<i64: 2, 16>, scalar_prefetch = 0 : i64, scratch_operands = 3 : i64, tpu.core_type = #tpu.core_type<sc_vector_subcore>, window_params = [{transform_indices = #map}, {transform_indices = #map1}, {transform_indices = #map}]} {
    %mul3A = arith.constant 2 : i32
    %mul3A_0 = arith.muli %arg1, %mul3A : i32
    %add3A = arith.addi %mul3A_0, %arg0 : i32
    %mul3A_1 = arith.constant 8 : i32
    %mul3A_2 = arith.muli %add3A, %mul3A_1 : i32
    "tpu.region"() ({
      %run_scoped3A = tpu.sem_alloc : memref<!tpu.dma_semaphore, #tpu.memory_space<semaphore_mem>>
      %dma_start3A_7 = tpu.memref_slice %arg3[%mul3A_2] : memref<256xi32, #tpu.memory_space<hbm>> -> memref<8xi32, #tpu.memory_space<hbm>>
      %dma_start3A_8 = tpu.memref_slice %arg3[%mul3A_2] : memref<256xi32, #tpu.memory_space<hbm>> -> memref<8xi32, #tpu.memory_space<hbm>>
      tpu.enqueue_dma source(%dma_start3A_8 : memref<8xi32, #tpu.memory_space<hbm>>) target(%arg5 : memref<8xi32, #tpu.memory_space<vmem>>) target_semaphore(%run_scoped3A : memref<!tpu.dma_semaphore, #tpu.memory_space<semaphore_mem>>)
      %dma_wait3A_9 = tpu.memref_slice %arg3[%mul3A_2] : memref<256xi32, #tpu.memory_space<hbm>> -> memref<8xi32, #tpu.memory_space<hbm>>
      %dma_wait3A_10 = tpu.memref_slice %arg3[%mul3A_2] : memref<256xi32, #tpu.memory_space<hbm>> -> memref<8xi32, #tpu.memory_space<hbm>>
      tpu.wait_dma2 semaphore(%run_scoped3A : memref<!tpu.dma_semaphore, #tpu.memory_space<semaphore_mem>>) src(%dma_wait3A_10 : memref<8xi32, #tpu.memory_space<hbm>>) dst(%arg5 : memref<8xi32, #tpu.memory_space<vmem>>)
      tpu.yield
    }) : () -> ()
    %dma_start3A = arith.constant 0 : i32
    %dma_start3A_3 = arith.constant 0 : i32
    %dma_start3A_4 = tpu.memref_slice %arg2[%dma_start3A, %dma_start3A_3] : memref<4100x192xf32, #tpu.memory_space<hbm>> -> memref<4100x192xf32, #tpu.memory_space<hbm>>
    tpu.enqueue_indirect_dma source(%dma_start3A_4 : memref<4100x192xf32, #tpu.memory_space<hbm>>) target(%arg6 : memref<8x192xf32, #tpu.memory_space<vmem>>) offsets(%arg5 : memref<8xi32, #tpu.memory_space<vmem>>) semaphore(%arg7 : memref<!tpu.dma_semaphore, #tpu.memory_space<semaphore_mem>>)
    %dma_wait3A = arith.constant 0 : i32
    %dma_wait3A_5 = arith.constant 0 : i32
    %dma_wait3A_6 = tpu.memref_slice %arg2[%dma_wait3A, %dma_wait3A_5] : memref<4100x192xf32, #tpu.memory_space<hbm>> -> memref<4100x192xf32, #tpu.memory_space<hbm>>
    tpu.wait_indirect_dma semaphore(%arg7 : memref<!tpu.dma_semaphore, #tpu.memory_space<semaphore_mem>>) src(%dma_wait3A_6 : memref<4100x192xf32, #tpu.memory_space<hbm>>) dst(%arg6 : memref<8x192xf32, #tpu.memory_space<vmem>>)
    "tpu.region"() ({
      %run_scoped3A = tpu.sem_alloc : memref<!tpu.dma_semaphore, #tpu.memory_space<semaphore_mem>>
      %dma_start3A_7 = arith.constant 0 : i32
      %dma_start3A_8 = tpu.memref_slice %arg4[%mul3A_2, %dma_start3A_7] : memref<256x192xf32, #tpu.memory_space<hbm>> -> memref<8x192xf32, #tpu.memory_space<hbm>>
      %dma_start3A_9 = arith.constant 0 : i32
      %dma_start3A_10 = tpu.memref_slice %arg4[%mul3A_2, %dma_start3A_9] : memref<256x192xf32, #tpu.memory_space<hbm>> -> memref<8x192xf32, #tpu.memory_space<hbm>>
      tpu.enqueue_dma source(%arg6 : memref<8x192xf32, #tpu.memory_space<vmem>>) target(%dma_start3A_10 : memref<8x192xf32, #tpu.memory_space<hbm>>) target_semaphore(%run_scoped3A : memref<!tpu.dma_semaphore, #tpu.memory_space<semaphore_mem>>)
      %dma_wait3A_11 = arith.constant 0 : i32
      %dma_wait3A_12 = tpu.memref_slice %arg4[%mul3A_2, %dma_wait3A_11] : memref<256x192xf32, #tpu.memory_space<hbm>> -> memref<8x192xf32, #tpu.memory_space<hbm>>
      %dma_wait3A_13 = arith.constant 0 : i32
      %dma_wait3A_14 = tpu.memref_slice %arg4[%mul3A_2, %dma_wait3A_13] : memref<256x192xf32, #tpu.memory_space<hbm>> -> memref<8x192xf32, #tpu.memory_space<hbm>>
      tpu.wait_dma2 semaphore(%run_scoped3A : memref<!tpu.dma_semaphore, #tpu.memory_space<semaphore_mem>>) src(%arg6 : memref<8x192xf32, #tpu.memory_space<vmem>>) dst(%dma_wait3A_14 : memref<8x192xf32, #tpu.memory_space<hbm>>)
      tpu.yield
    }) : () -> ()
    return
  }
}

module attributes {stable_mosaic.version = 14 : i64} {
  func.func @body(%arg0: i32, %arg1: memref<1x1024x12xf32, #tpu.memory_space<vmem>>, %arg2: memref<1x1025x192xf32, #tpu.memory_space<vmem>>, %arg3: memref<2x128xi32, #tpu.memory_space<vmem>>, %arg4: memref<4x8x128xf32, #tpu.memory_space<vmem>>) attributes {dimension_semantics = [#tpu.dimension_semantics<arbitrary>], iteration_bounds = array<i64: 5>, scalar_prefetch = 0 : i64, scratch_operands = 1 : i64, tpu.core_type = #tpu.core_type<tc>, window_params = [{transform_indices = @transform_0, window_bounds = array<i64: 1, 1024, 12>}, {transform_indices = @transform_1, window_bounds = array<i64: 1, 1025, 192>}, {pipeline_mode = #tpu.pipeline_mode<synchronous>, transform_indices = @transform_2, window_bounds = array<i64: 2, 128>}]} {
    %lt3A = arith.constant 4 : i32
    %lt3A_0 = arith.cmpi slt, %arg0, %lt3A : i32
    %convert_element_type3A = arith.extui %lt3A_0 : i1 to i32
    %cond3A = arith.constant 0 : i32
    %cond3A_1 = arith.cmpi ne, %convert_element_type3A, %cond3A : i32
    scf.if %cond3A_1 {
      %get3A = arith.constant 0 : index
      %get3A_6 = arith.constant 0 : index
      %get3A_7 = arith.constant 0 : index
      %get3A_8 = vector.load %arg1[%get3A, %get3A_6, %get3A_7] : memref<1x1024x12xf32, #tpu.memory_space<vmem>>, vector<1x1024x12xf32>
      %get3A_9 = vector.shape_cast %get3A_8 : vector<1x1024x12xf32> to vector<1024x12xf32>
      %get3A_10 = arith.constant 0 : index
      %get3A_11 = arith.constant 0 : index
      %get3A_12 = arith.constant 0 : index
      %get3A_13 = vector.load %arg2[%get3A_10, %get3A_11, %get3A_12] : memref<1x1025x192xf32, #tpu.memory_space<vmem>>, vector<1x1025x192xf32>
      %get3A_14 = vector.shape_cast %get3A_13 : vector<1x1025x192xf32> to vector<1025x192xf32>
      %slice3A = vector.extract_strided_slice %get3A_14 {offsets = [1, 0], sizes = [1024, 192], strides = [1, 1]} : vector<1025x192xf32> to vector<1024x192xf32>
      %transpose3A = tpu.transpose %slice3A, [1, 0] : vector<1024x192xf32> -> vector<192x1024xf32>
      %reduce_sum3A = arith.constant dense<0.000000e+00> : vector<1024xf32>
      %reduce_sum3A_15 = vector.multi_reduction <add>, %get3A_9, %reduce_sum3A [1] : vector<1024x12xf32> to vector<1024xf32>
      %broadcast_in_dim3A = vector.shape_cast %reduce_sum3A_15 : vector<1024xf32> to vector<1024x1xf32>
      %div3A = arith.constant 1.200000e+01 : f32
      %div3A_16 = vector.broadcast %div3A : f32 to vector<1024x1xf32>
      %div3A_17 = arith.divf %broadcast_in_dim3A, %div3A_16 : vector<1024x1xf32>
      %div3A_18 = arith.constant 2.000000e-01 : f32
      %div3A_19 = vector.broadcast %div3A_18 : f32 to vector<1024x192xf32>
      %div3A_20 = arith.divf %slice3A, %div3A_19 : vector<1024x192xf32>
      %reduce_max3A = arith.constant dense<0xFF800000> : vector<1024xf32>
      %reduce_max3A_21 = vector.multi_reduction <maximumf>, %div3A_20, %reduce_max3A [1] : vector<1024x192xf32> to vector<1024xf32>
      %broadcast_in_dim3A_22 = vector.shape_cast %reduce_max3A_21 : vector<1024xf32> to vector<1024x1xf32>
      %sub3A = vector.broadcast %broadcast_in_dim3A_22 : vector<1024x1xf32> to vector<1024x192xf32>
      %sub3A_23 = arith.subf %div3A_20, %sub3A : vector<1024x192xf32>
      %exp3A = math.exp %sub3A_23 : vector<1024x192xf32>
      %reduce_sum3A_24 = arith.constant dense<0.000000e+00> : vector<1024xf32>
      %reduce_sum3A_25 = vector.multi_reduction <add>, %exp3A, %reduce_sum3A_24 [1] : vector<1024x192xf32> to vector<1024xf32>
      %broadcast_in_dim3A_26 = vector.shape_cast %reduce_sum3A_25 : vector<1024xf32> to vector<1024x1xf32>
      %div3A_27 = vector.broadcast %broadcast_in_dim3A_26 : vector<1024x1xf32> to vector<1024x192xf32>
      %div3A_28 = arith.divf %exp3A, %div3A_27 : vector<1024x192xf32>
      %max3A = arith.constant 9.99999996E-13 : f32
      %max3A_29 = vector.broadcast %max3A : f32 to vector<1024x192xf32>
      %max3A_30 = arith.maximumf %div3A_28, %max3A_29 : vector<1024x192xf32>
      %log3A = math.log %max3A_30 : vector<1024x192xf32>
      %mul3A = arith.mulf %max3A_30, %log3A : vector<1024x192xf32>
      %reduce_sum3A_31 = arith.constant dense<0.000000e+00> : vector<1024xf32>
      %reduce_sum3A_32 = vector.multi_reduction <add>, %mul3A, %reduce_sum3A_31 [1] : vector<1024x192xf32> to vector<1024xf32>
      %broadcast_in_dim3A_33 = vector.shape_cast %reduce_sum3A_32 : vector<1024xf32> to vector<1024x1xf32>
      %neg3A = arith.constant 0.000000e+00 : f32
      %neg3A_34 = vector.broadcast %neg3A : f32 to vector<1024x1xf32>
      %neg3A_35 = arith.subf %neg3A_34, %broadcast_in_dim3A_33 : vector<1024x1xf32>
      %div3A_36 = arith.constant 5.2574954 : f32
      %div3A_37 = vector.broadcast %div3A_36 : f32 to vector<1024x1xf32>
      %div3A_38 = arith.divf %neg3A_35, %div3A_37 : vector<1024x1xf32>
      %mul3A_39 = arith.mulf %slice3A, %slice3A : vector<1024x192xf32>
      %reduce_sum3A_40 = arith.constant dense<0.000000e+00> : vector<1024xf32>
      %reduce_sum3A_41 = vector.multi_reduction <add>, %mul3A_39, %reduce_sum3A_40 [1] : vector<1024x192xf32> to vector<1024xf32>
      %broadcast_in_dim3A_42 = vector.shape_cast %reduce_sum3A_41 : vector<1024xf32> to vector<1024x1xf32>
      %sqrt3A = math.sqrt %broadcast_in_dim3A_42 : vector<1024x1xf32>
      %add3A = arith.constant 9.99999996E-13 : f32
      %add3A_43 = vector.broadcast %add3A : f32 to vector<1024x1xf32>
      %add3A_44 = arith.addf %sqrt3A, %add3A_43 : vector<1024x1xf32>
      %div3A_45 = vector.broadcast %add3A_44 : vector<1024x1xf32> to vector<1024x192xf32>
      %div3A_46 = arith.divf %slice3A, %div3A_45 : vector<1024x192xf32>
      %reshape3A = vector.shape_cast %add3A_44 : vector<1024x1xf32> to vector<1x1024xf32>
      %div3A_47 = vector.broadcast %reshape3A : vector<1x1024xf32> to vector<192x1024xf32>
      %div3A_48 = arith.divf %transpose3A, %div3A_47 : vector<192x1024xf32>
      %dot_general3A = arith.constant dense<0.000000e+00> : vector<1024x1024xf32>
      %dot_general3A_49 = tpu.matmul %div3A_46, %div3A_48, %dot_general3A {dimension_numbers = #tpu.dot_dimension_numbers<[1], [0], [0], [1], [0, 0, 1, 1], [], []>, transpose_lhs_hint = false} : vector<1024x192xf32>, vector<192x1024xf32>, vector<1024x1024xf32> -> vector<1024x1024xf32>
      %iota3A = tpu.iota {dimensions = array<i32: 0>} : vector<1024x1024xi32>
      %iota3A_50 = tpu.iota {dimensions = array<i32: 1>} : vector<1024x1024xi32>
      %eq3A_51 = arith.cmpi eq, %iota3A, %iota3A_50 : vector<1024x1024xi32>
      %jit3A = arith.constant -1.000000e+09 : f32
      %broadcast_in_dim3A_52 = vector.broadcast %jit3A : f32 to vector<1024x1024xf32>
      %select_n3A = arith.select %eq3A_51, %broadcast_in_dim3A_52, %dot_general3A_49 : vector<1024x1024xi1>, vector<1024x1024xf32>
      %div3A_53 = arith.constant 1.000000e-01 : f32
      %div3A_54 = vector.broadcast %div3A_53 : f32 to vector<1024x1024xf32>
      %div3A_55 = arith.divf %select_n3A, %div3A_54 : vector<1024x1024xf32>
      %reduce_max3A_56 = arith.constant dense<0xFF800000> : vector<1024xf32>
      %reduce_max3A_57 = vector.multi_reduction <maximumf>, %div3A_55, %reduce_max3A_56 [1] : vector<1024x1024xf32> to vector<1024xf32>
      %broadcast_in_dim3A_58 = vector.shape_cast %reduce_max3A_57 : vector<1024xf32> to vector<1024x1xf32>
      %sub3A_59 = vector.broadcast %broadcast_in_dim3A_58 : vector<1024x1xf32> to vector<1024x1024xf32>
      %sub3A_60 = arith.subf %div3A_55, %sub3A_59 : vector<1024x1024xf32>
      %exp3A_61 = math.exp %sub3A_60 : vector<1024x1024xf32>
      %reduce_sum3A_62 = arith.constant dense<0.000000e+00> : vector<1024xf32>
      %reduce_sum3A_63 = vector.multi_reduction <add>, %exp3A_61, %reduce_sum3A_62 [1] : vector<1024x1024xf32> to vector<1024xf32>
      %broadcast_in_dim3A_64 = vector.shape_cast %reduce_sum3A_63 : vector<1024xf32> to vector<1024x1xf32>
      %div3A_65 = vector.broadcast %broadcast_in_dim3A_64 : vector<1024x1xf32> to vector<1024x1024xf32>
      %div3A_66 = arith.divf %exp3A_61, %div3A_65 : vector<1024x1024xf32>
      %max3A_67 = arith.constant 9.99999996E-13 : f32
      %max3A_68 = vector.broadcast %max3A_67 : f32 to vector<1024x1024xf32>
      %max3A_69 = arith.maximumf %div3A_66, %max3A_68 : vector<1024x1024xf32>
      %log3A_70 = math.log %max3A_69 : vector<1024x1024xf32>
      %mul3A_71 = arith.mulf %max3A_69, %log3A_70 : vector<1024x1024xf32>
      %reduce_sum3A_72 = arith.constant dense<0.000000e+00> : vector<1024xf32>
      %reduce_sum3A_73 = vector.multi_reduction <add>, %mul3A_71, %reduce_sum3A_72 [1] : vector<1024x1024xf32> to vector<1024xf32>
      %broadcast_in_dim3A_74 = vector.shape_cast %reduce_sum3A_73 : vector<1024xf32> to vector<1024x1xf32>
      %neg3A_75 = arith.constant 0.000000e+00 : f32
      %neg3A_76 = vector.broadcast %neg3A_75 : f32 to vector<1024x1xf32>
      %neg3A_77 = arith.subf %neg3A_76, %broadcast_in_dim3A_74 : vector<1024x1xf32>
      %div3A_78 = arith.constant 6.93147182 : f32
      %div3A_79 = vector.broadcast %div3A_78 : f32 to vector<1024x1xf32>
      %div3A_80 = arith.divf %neg3A_77, %div3A_79 : vector<1024x1xf32>
      %sub3A_81 = arith.constant 1.000000e+00 : f32
      %sub3A_82 = vector.broadcast %sub3A_81 : f32 to vector<1024x1xf32>
      %sub3A_83 = arith.subf %sub3A_82, %div3A_80 : vector<1024x1xf32>
      %reduce_sum3A_84 = vector.shape_cast %div3A_17 : vector<1024x1xf32> to vector<1x1024x1xf32>
      %reduce_sum3A_85 = arith.constant dense<0.000000e+00> : vector<1xf32>
      %reduce_sum3A_86 = vector.multi_reduction <add>, %reduce_sum3A_84, %reduce_sum3A_85 [1, 2] : vector<1x1024x1xf32> to vector<1xf32>
      %reduce_sum3A_87 = vector.shape_cast %reduce_sum3A_86 : vector<1xf32> to vector<1x1x1xf32>
      %reduce_sum3A_88 = vector.extract %reduce_sum3A_87[0, 0, 0] : f32 from vector<1x1x1xf32>
      %div3A_89 = arith.constant 1.024000e+03 : f32
      %div3A_90 = arith.divf %reduce_sum3A_88, %div3A_89 : f32
      %sub3A_91 = vector.broadcast %div3A_90 : f32 to vector<1024x1xf32>
      %sub3A_92 = arith.subf %div3A_17, %sub3A_91 : vector<1024x1xf32>
      %sub3A_93 = vector.broadcast %div3A_90 : f32 to vector<1024x1xf32>
      %sub3A_94 = arith.subf %div3A_17, %sub3A_93 : vector<1024x1xf32>
      %mul3A_95 = arith.mulf %sub3A_92, %sub3A_94 : vector<1024x1xf32>
      %reduce_sum3A_96 = vector.shape_cast %mul3A_95 : vector<1024x1xf32> to vector<1x1024x1xf32>
      %reduce_sum3A_97 = arith.constant dense<0.000000e+00> : vector<1xf32>
      %reduce_sum3A_98 = vector.multi_reduction <add>, %reduce_sum3A_96, %reduce_sum3A_97 [1, 2] : vector<1x1024x1xf32> to vector<1xf32>
      %reduce_sum3A_99 = vector.shape_cast %reduce_sum3A_98 : vector<1xf32> to vector<1x1x1xf32>
      %reduce_sum3A_100 = vector.extract %reduce_sum3A_99[0, 0, 0] : f32 from vector<1x1x1xf32>
      %div3A_101 = arith.constant 1.023000e+03 : f32
      %div3A_102 = arith.divf %reduce_sum3A_100, %div3A_101 : f32
      %sub3A_103 = vector.broadcast %div3A_90 : f32 to vector<1024x1xf32>
      %sub3A_104 = arith.subf %div3A_17, %sub3A_103 : vector<1024x1xf32>
      %sqrt3A_105 = math.sqrt %div3A_102 : f32
      %add3A_106 = arith.constant 9.99999996E-13 : f32
      %add3A_107 = arith.addf %sqrt3A_105, %add3A_106 : f32
      %div3A_108 = vector.broadcast %add3A_107 : f32 to vector<1024x1xf32>
      %div3A_109 = arith.divf %sub3A_104, %div3A_108 : vector<1024x1xf32>
      %mul3A_110 = arith.constant 1.000000e+00 : f32
      %mul3A_111 = vector.broadcast %mul3A_110 : f32 to vector<1024x1xf32>
      %mul3A_112 = arith.mulf %mul3A_111, %div3A_109 : vector<1024x1xf32>
      %reduce_sum3A_113 = vector.shape_cast %div3A_38 : vector<1024x1xf32> to vector<1x1024x1xf32>
      %reduce_sum3A_114 = arith.constant dense<0.000000e+00> : vector<1xf32>
      %reduce_sum3A_115 = vector.multi_reduction <add>, %reduce_sum3A_113, %reduce_sum3A_114 [1, 2] : vector<1x1024x1xf32> to vector<1xf32>
      %reduce_sum3A_116 = vector.shape_cast %reduce_sum3A_115 : vector<1xf32> to vector<1x1x1xf32>
      %reduce_sum3A_117 = vector.extract %reduce_sum3A_116[0, 0, 0] : f32 from vector<1x1x1xf32>
      %div3A_118 = arith.constant 1.024000e+03 : f32
      %div3A_119 = arith.divf %reduce_sum3A_117, %div3A_118 : f32
      %sub3A_120 = vector.broadcast %div3A_119 : f32 to vector<1024x1xf32>
      %sub3A_121 = arith.subf %div3A_38, %sub3A_120 : vector<1024x1xf32>
      %sub3A_122 = vector.broadcast %div3A_119 : f32 to vector<1024x1xf32>
      %sub3A_123 = arith.subf %div3A_38, %sub3A_122 : vector<1024x1xf32>
      %mul3A_124 = arith.mulf %sub3A_121, %sub3A_123 : vector<1024x1xf32>
      %reduce_sum3A_125 = vector.shape_cast %mul3A_124 : vector<1024x1xf32> to vector<1x1024x1xf32>
      %reduce_sum3A_126 = arith.constant dense<0.000000e+00> : vector<1xf32>
      %reduce_sum3A_127 = vector.multi_reduction <add>, %reduce_sum3A_125, %reduce_sum3A_126 [1, 2] : vector<1x1024x1xf32> to vector<1xf32>
      %reduce_sum3A_128 = vector.shape_cast %reduce_sum3A_127 : vector<1xf32> to vector<1x1x1xf32>
      %reduce_sum3A_129 = vector.extract %reduce_sum3A_128[0, 0, 0] : f32 from vector<1x1x1xf32>
      %div3A_130 = arith.constant 1.023000e+03 : f32
      %div3A_131 = arith.divf %reduce_sum3A_129, %div3A_130 : f32
      %sub3A_132 = vector.broadcast %div3A_119 : f32 to vector<1024x1xf32>
      %sub3A_133 = arith.subf %div3A_38, %sub3A_132 : vector<1024x1xf32>
      %sqrt3A_134 = math.sqrt %div3A_131 : f32
      %add3A_135 = arith.constant 9.99999996E-13 : f32
      %add3A_136 = arith.addf %sqrt3A_134, %add3A_135 : f32
      %div3A_137 = vector.broadcast %add3A_136 : f32 to vector<1024x1xf32>
      %div3A_138 = arith.divf %sub3A_133, %div3A_137 : vector<1024x1xf32>
      %mul3A_139 = arith.constant 4.000000e-01 : f32
      %mul3A_140 = vector.broadcast %mul3A_139 : f32 to vector<1024x1xf32>
      %mul3A_141 = arith.mulf %mul3A_140, %div3A_138 : vector<1024x1xf32>
      %add3A_142 = arith.addf %mul3A_112, %mul3A_141 : vector<1024x1xf32>
      %reduce_sum3A_143 = vector.shape_cast %sub3A_83 : vector<1024x1xf32> to vector<1x1024x1xf32>
      %reduce_sum3A_144 = arith.constant dense<0.000000e+00> : vector<1xf32>
      %reduce_sum3A_145 = vector.multi_reduction <add>, %reduce_sum3A_143, %reduce_sum3A_144 [1, 2] : vector<1x1024x1xf32> to vector<1xf32>
      %reduce_sum3A_146 = vector.shape_cast %reduce_sum3A_145 : vector<1xf32> to vector<1x1x1xf32>
      %reduce_sum3A_147 = vector.extract %reduce_sum3A_146[0, 0, 0] : f32 from vector<1x1x1xf32>
      %div3A_148 = arith.constant 1.024000e+03 : f32
      %div3A_149 = arith.divf %reduce_sum3A_147, %div3A_148 : f32
      %sub3A_150 = vector.broadcast %div3A_149 : f32 to vector<1024x1xf32>
      %sub3A_151 = arith.subf %sub3A_83, %sub3A_150 : vector<1024x1xf32>
      %sub3A_152 = vector.broadcast %div3A_149 : f32 to vector<1024x1xf32>
      %sub3A_153 = arith.subf %sub3A_83, %sub3A_152 : vector<1024x1xf32>
      %mul3A_154 = arith.mulf %sub3A_151, %sub3A_153 : vector<1024x1xf32>
      %reduce_sum3A_155 = vector.shape_cast %mul3A_154 : vector<1024x1xf32> to vector<1x1024x1xf32>
      %reduce_sum3A_156 = arith.constant dense<0.000000e+00> : vector<1xf32>
      %reduce_sum3A_157 = vector.multi_reduction <add>, %reduce_sum3A_155, %reduce_sum3A_156 [1, 2] : vector<1x1024x1xf32> to vector<1xf32>
      %reduce_sum3A_158 = vector.shape_cast %reduce_sum3A_157 : vector<1xf32> to vector<1x1x1xf32>
      %reduce_sum3A_159 = vector.extract %reduce_sum3A_158[0, 0, 0] : f32 from vector<1x1x1xf32>
      %div3A_160 = arith.constant 1.023000e+03 : f32
      %div3A_161 = arith.divf %reduce_sum3A_159, %div3A_160 : f32
      %sub3A_162 = vector.broadcast %div3A_149 : f32 to vector<1024x1xf32>
      %sub3A_163 = arith.subf %sub3A_83, %sub3A_162 : vector<1024x1xf32>
      %sqrt3A_164 = math.sqrt %div3A_161 : f32
      %add3A_165 = arith.constant 9.99999996E-13 : f32
      %add3A_166 = arith.addf %sqrt3A_164, %add3A_165 : f32
      %div3A_167 = vector.broadcast %add3A_166 : f32 to vector<1024x1xf32>
      %div3A_168 = arith.divf %sub3A_163, %div3A_167 : vector<1024x1xf32>
      %mul3A_169 = arith.constant 6.000000e-01 : f32
      %mul3A_170 = vector.broadcast %mul3A_169 : f32 to vector<1024x1xf32>
      %mul3A_171 = arith.mulf %mul3A_170, %div3A_168 : vector<1024x1xf32>
      %add3A_172 = arith.addf %add3A_142, %mul3A_171 : vector<1024x1xf32>
      %reshape3A_173 = vector.shape_cast %add3A_172 : vector<1024x1xf32> to vector<8x128xf32>
      %swap3A = arith.index_cast %arg0 : i32 to index
      %swap3A_174 = arith.constant 0 : index
      %swap3A_175 = arith.constant 0 : index
      %swap3A_176 = vector.load %arg4[%swap3A, %swap3A_174, %swap3A_175] : memref<4x8x128xf32, #tpu.memory_space<vmem>>, vector<1x8x128xf32>
      %swap3A_177 = vector.shape_cast %swap3A_176 : vector<1x8x128xf32> to vector<8x128xf32>
      %swap3A_178 = vector.shape_cast %reshape3A_173 : vector<8x128xf32> to vector<1x8x128xf32>
      tpu.vector_store %arg4[%swap3A, %swap3A_174, %swap3A_175], %swap3A_178 {strides = array<i32>} : memref<4x8x128xf32, #tpu.memory_space<vmem>>, vector<1x8x128xf32>,
    } else {
    }
    %eq3A = arith.constant 4 : i32
    %eq3A_2 = arith.cmpi eq, %arg0, %eq3A : i32
    %convert_element_type3A_3 = arith.extui %eq3A_2 : i1 to i32
    %cond3A_4 = arith.constant 0 : i32
    %cond3A_5 = arith.cmpi ne, %convert_element_type3A_3, %cond3A_4 : i32
    scf.if %cond3A_5 {
      %iota3A = tpu.iota {dimensions = array<i32: 0>} : vector<8x128xi32>
      %mul3A = arith.constant 128 : i32
      %mul3A_6 = vector.broadcast %mul3A : i32 to vector<8x128xi32>
      %mul3A_7 = arith.muli %iota3A, %mul3A_6 : vector<8x128xi32>
      %iota3A_8 = tpu.iota {dimensions = array<i32: 1>} : vector<8x128xi32>
      %add3A = arith.addi %mul3A_7, %iota3A_8 : vector<8x128xi32>
      %broadcast_in_dim3A = arith.constant 0 : i32
      %broadcast_in_dim3A_9 = vector.broadcast %broadcast_in_dim3A : i32 to vector<8x128xi32>
      %get3A = arith.constant 0 : index
      %get3A_10 = arith.constant 0 : index
      %get3A_11 = arith.constant 0 : index
      %get3A_12 = vector.load %arg4[%get3A, %get3A_10, %get3A_11] : memref<4x8x128xf32, #tpu.memory_space<vmem>>, vector<1x8x128xf32>
      %get3A_13 = vector.shape_cast %get3A_12 : vector<1x8x128xf32> to vector<8x128xf32>
      %get3A_14 = arith.constant 1 : index
      %get3A_15 = arith.constant 0 : index
      %get3A_16 = arith.constant 0 : index
      %get3A_17 = vector.load %arg4[%get3A_14, %get3A_15, %get3A_16] : memref<4x8x128xf32, #tpu.memory_space<vmem>>, vector<1x8x128xf32>
      %get3A_18 = vector.shape_cast %get3A_17 : vector<1x8x128xf32> to vector<8x128xf32>
      %get3A_19 = arith.constant 2 : index
      %get3A_20 = arith.constant 0 : index
      %get3A_21 = arith.constant 0 : index
      %get3A_22 = vector.load %arg4[%get3A_19, %get3A_20, %get3A_21] : memref<4x8x128xf32, #tpu.memory_space<vmem>>, vector<1x8x128xf32>
      %get3A_23 = vector.shape_cast %get3A_22 : vector<1x8x128xf32> to vector<8x128xf32>
      %get3A_24 = arith.constant 3 : index
      %get3A_25 = arith.constant 0 : index
      %get3A_26 = arith.constant 0 : index
      %get3A_27 = vector.load %arg4[%get3A_24, %get3A_25, %get3A_26] : memref<4x8x128xf32, #tpu.memory_space<vmem>>, vector<1x8x128xf32>
      %get3A_28 = vector.shape_cast %get3A_27 : vector<1x8x128xf32> to vector<8x128xf32>
      %scan3A = arith.constant 0 : i32
      %scan3A_29 = arith.constant 64 : i32
      %scan3A_30 = arith.addi %scan3A, %scan3A_29 : i32
      %scan3A_31 = arith.constant 1 : i32
      %scan3A_32:6 = scf.for %scan3A_40 = %scan3A to %scan3A_30 step %scan3A_31 iter_args(%scan3A_41 = %get3A_13, %scan3A_42 = %get3A_18, %scan3A_43 = %get3A_23, %scan3A_44 = %get3A_28, %scan3A_45 = %broadcast_in_dim3A_9, %scan3A_46 = %broadcast_in_dim3A_9) -> (vector<8x128xf32>, vector<8x128xf32>, vector<8x128xf32>, vector<8x128xf32>, vector<8x128xi32>, vector<8x128xi32>)  : i32 {
        %reduce_max3A = vector.shape_cast %scan3A_41 : vector<8x128xf32> to vector<1x8x128xf32>
        %reduce_max3A_47 = arith.constant dense<0xFF800000> : vector<1xf32>
        %reduce_max3A_48 = vector.multi_reduction <maximumf>, %reduce_max3A, %reduce_max3A_47 [1, 2] : vector<1x8x128xf32> to vector<1xf32>
        %reduce_max3A_49 = vector.shape_cast %reduce_max3A_48 : vector<1xf32> to vector<1x1x1xf32>
        %reduce_max3A_50 = vector.extract %reduce_max3A_49[0, 0, 0] : f32 from vector<1x1x1xf32>
        %broadcast_in_dim3A_51 = vector.broadcast %reduce_max3A_50 : f32 to vector<1x1xf32>
        %eq3A_52 = vector.broadcast %broadcast_in_dim3A_51 : vector<1x1xf32> to vector<8x128xf32>
        %eq3A_53 = arith.cmpf oeq, %scan3A_41, %eq3A_52 : vector<8x128xf32>
        %jit3A = arith.constant 1024 : i32
        %broadcast_in_dim3A_54 = vector.broadcast %jit3A : i32 to vector<8x128xi32>
        %select_n3A = arith.select %eq3A_53, %add3A, %broadcast_in_dim3A_54 : vector<8x128xi1>, vector<8x128xi32>
        %reduce_min3A = vector.shape_cast %select_n3A : vector<8x128xi32> to vector<1x8x128xi32>
        %reduce_min3A_55 = arith.constant dense<2147483647> : vector<1xi32>
        %reduce_min3A_56 = vector.multi_reduction <minsi>, %reduce_min3A, %reduce_min3A_55 [1, 2] : vector<1x8x128xi32> to vector<1xi32>
        %reduce_min3A_57 = vector.shape_cast %reduce_min3A_56 : vector<1xi32> to vector<1x1x1xi32>
        %reduce_min3A_58 = vector.extract %reduce_min3A_57[0, 0, 0] : i32 from vector<1x1x1xi32>
        %broadcast_in_dim3A_59 = vector.broadcast %reduce_min3A_58 : i32 to vector<1x1xi32>
        %add3A_60 = arith.constant 0 : i32
        %add3A_61 = arith.addi %scan3A_40, %add3A_60 : i32
        %eq3A_62 = vector.broadcast %add3A_61 : i32 to vector<8x128xi32>
        %eq3A_63 = arith.cmpi eq, %add3A, %eq3A_62 : vector<8x128xi32>
        %add3A_64 = arith.constant 1 : i32
        %add3A_65 = vector.broadcast %add3A_64 : i32 to vector<1x1xi32>
        %add3A_66 = arith.addi %broadcast_in_dim3A_59, %add3A_65 : vector<1x1xi32>
        %broadcast_in_dim3A_67 = vector.shape_cast %add3A_66 : vector<1x1xi32> to vector<1x1xi32>
        %broadcast_in_dim3A_68 = vector.broadcast %broadcast_in_dim3A_67 : vector<1x1xi32> to vector<8x128xi32>
        %select_n3A_69 = arith.select %eq3A_63, %broadcast_in_dim3A_68, %scan3A_45 : vector<8x128xi1>, vector<8x128xi32>
        %eq3A_70 = vector.broadcast %broadcast_in_dim3A_59 : vector<1x1xi32> to vector<8x128xi32>
        %eq3A_71 = arith.cmpi eq, %add3A, %eq3A_70 : vector<8x128xi32>
        %jit3A_72 = arith.constant 0xFF800000 : f32
        %broadcast_in_dim3A_73 = vector.broadcast %jit3A_72 : f32 to vector<8x128xf32>
        %select_n3A_74 = arith.select %eq3A_71, %broadcast_in_dim3A_73, %scan3A_41 : vector<8x128xi1>, vector<8x128xf32>
        %reduce_max3A_75 = vector.shape_cast %scan3A_42 : vector<8x128xf32> to vector<1x8x128xf32>
        %reduce_max3A_76 = arith.constant dense<0xFF800000> : vector<1xf32>
        %reduce_max3A_77 = vector.multi_reduction <maximumf>, %reduce_max3A_75, %reduce_max3A_76 [1, 2] : vector<1x8x128xf32> to vector<1xf32>
        %reduce_max3A_78 = vector.shape_cast %reduce_max3A_77 : vector<1xf32> to vector<1x1x1xf32>
        %reduce_max3A_79 = vector.extract %reduce_max3A_78[0, 0, 0] : f32 from vector<1x1x1xf32>
        %broadcast_in_dim3A_80 = vector.broadcast %reduce_max3A_79 : f32 to vector<1x1xf32>
        %eq3A_81 = vector.broadcast %broadcast_in_dim3A_80 : vector<1x1xf32> to vector<8x128xf32>
        %eq3A_82 = arith.cmpf oeq, %scan3A_42, %eq3A_81 : vector<8x128xf32>
        %jit3A_83 = arith.constant 1024 : i32
        %broadcast_in_dim3A_84 = vector.broadcast %jit3A_83 : i32 to vector<8x128xi32>
        %select_n3A_85 = arith.select %eq3A_82, %add3A, %broadcast_in_dim3A_84 : vector<8x128xi1>, vector<8x128xi32>
        %reduce_min3A_86 = vector.shape_cast %select_n3A_85 : vector<8x128xi32> to vector<1x8x128xi32>
        %reduce_min3A_87 = arith.constant dense<2147483647> : vector<1xi32>
        %reduce_min3A_88 = vector.multi_reduction <minsi>, %reduce_min3A_86, %reduce_min3A_87 [1, 2] : vector<1x8x128xi32> to vector<1xi32>
        %reduce_min3A_89 = vector.shape_cast %reduce_min3A_88 : vector<1xi32> to vector<1x1x1xi32>
        %reduce_min3A_90 = vector.extract %reduce_min3A_89[0, 0, 0] : i32 from vector<1x1x1xi32>
        %broadcast_in_dim3A_91 = vector.broadcast %reduce_min3A_90 : i32 to vector<1x1xi32>
        %add3A_92 = arith.constant 64 : i32
        %add3A_93 = arith.addi %scan3A_40, %add3A_92 : i32
        %eq3A_94 = vector.broadcast %add3A_93 : i32 to vector<8x128xi32>
        %eq3A_95 = arith.cmpi eq, %add3A, %eq3A_94 : vector<8x128xi32>
        %add3A_96 = arith.constant 1026 : i32
        %add3A_97 = vector.broadcast %add3A_96 : i32 to vector<1x1xi32>
        %add3A_98 = arith.addi %broadcast_in_dim3A_91, %add3A_97 : vector<1x1xi32>
        %broadcast_in_dim3A_99 = vector.shape_cast %add3A_98 : vector<1x1xi32> to vector<1x1xi32>
        %broadcast_in_dim3A_100 = vector.broadcast %broadcast_in_dim3A_99 : vector<1x1xi32> to vector<8x128xi32>
        %select_n3A_101 = arith.select %eq3A_95, %broadcast_in_dim3A_100, %select_n3A_69 : vector<8x128xi1>, vector<8x128xi32>
        %eq3A_102 = vector.broadcast %broadcast_in_dim3A_91 : vector<1x1xi32> to vector<8x128xi32>
        %eq3A_103 = arith.cmpi eq, %add3A, %eq3A_102 : vector<8x128xi32>
        %jit3A_104 = arith.constant 0xFF800000 : f32
        %broadcast_in_dim3A_105 = vector.broadcast %jit3A_104 : f32 to vector<8x128xf32>
        %select_n3A_106 = arith.select %eq3A_103, %broadcast_in_dim3A_105, %scan3A_42 : vector<8x128xi1>, vector<8x128xf32>
        %reduce_max3A_107 = vector.shape_cast %scan3A_43 : vector<8x128xf32> to vector<1x8x128xf32>
        %reduce_max3A_108 = arith.constant dense<0xFF800000> : vector<1xf32>
        %reduce_max3A_109 = vector.multi_reduction <maximumf>, %reduce_max3A_107, %reduce_max3A_108 [1, 2] : vector<1x8x128xf32> to vector<1xf32>
        %reduce_max3A_110 = vector.shape_cast %reduce_max3A_109 : vector<1xf32> to vector<1x1x1xf32>
        %reduce_max3A_111 = vector.extract %reduce_max3A_110[0, 0, 0] : f32 from vector<1x1x1xf32>
        %broadcast_in_dim3A_112 = vector.broadcast %reduce_max3A_111 : f32 to vector<1x1xf32>
        %eq3A_113 = vector.broadcast %broadcast_in_dim3A_112 : vector<1x1xf32> to vector<8x128xf32>
        %eq3A_114 = arith.cmpf oeq, %scan3A_43, %eq3A_113 : vector<8x128xf32>
        %jit3A_115 = arith.constant 1024 : i32
        %broadcast_in_dim3A_116 = vector.broadcast %jit3A_115 : i32 to vector<8x128xi32>
        %select_n3A_117 = arith.select %eq3A_114, %add3A, %broadcast_in_dim3A_116 : vector<8x128xi1>, vector<8x128xi32>
        %reduce_min3A_118 = vector.shape_cast %select_n3A_117 : vector<8x128xi32> to vector<1x8x128xi32>
        %reduce_min3A_119 = arith.constant dense<2147483647> : vector<1xi32>
        %reduce_min3A_120 = vector.multi_reduction <minsi>, %reduce_min3A_118, %reduce_min3A_119 [1, 2] : vector<1x8x128xi32> to vector<1xi32>
        %reduce_min3A_121 = vector.shape_cast %reduce_min3A_120 : vector<1xi32> to vector<1x1x1xi32>
        %reduce_min3A_122 = vector.extract %reduce_min3A_121[0, 0, 0] : i32 from vector<1x1x1xi32>
        %broadcast_in_dim3A_123 = vector.broadcast %reduce_min3A_122 : i32 to vector<1x1xi32>
        %add3A_124 = arith.constant 0 : i32
        %add3A_125 = arith.addi %scan3A_40, %add3A_124 : i32
        %eq3A_126 = vector.broadcast %add3A_125 : i32 to vector<8x128xi32>
        %eq3A_127 = arith.cmpi eq, %add3A, %eq3A_126 : vector<8x128xi32>
        %add3A_128 = arith.constant 2051 : i32
        %add3A_129 = vector.broadcast %add3A_128 : i32 to vector<1x1xi32>
        %add3A_130 = arith.addi %broadcast_in_dim3A_123, %add3A_129 : vector<1x1xi32>
        %broadcast_in_dim3A_131 = vector.shape_cast %add3A_130 : vector<1x1xi32> to vector<1x1xi32>
        %broadcast_in_dim3A_132 = vector.broadcast %broadcast_in_dim3A_131 : vector<1x1xi32> to vector<8x128xi32>
        %select_n3A_133 = arith.select %eq3A_127, %broadcast_in_dim3A_132, %scan3A_46 : vector<8x128xi1>, vector<8x128xi32>
        %eq3A_134 = vector.broadcast %broadcast_in_dim3A_123 : vector<1x1xi32> to vector<8x128xi32>
        %eq3A_135 = arith.cmpi eq, %add3A, %eq3A_134 : vector<8x128xi32>
        %jit3A_136 = arith.constant 0xFF800000 : f32
        %broadcast_in_dim3A_137 = vector.broadcast %jit3A_136 : f32 to vector<8x128xf32>
        %select_n3A_138 = arith.select %eq3A_135, %broadcast_in_dim3A_137, %scan3A_43 : vector<8x128xi1>, vector<8x128xf32>
        %reduce_max3A_139 = vector.shape_cast %scan3A_44 : vector<8x128xf32> to vector<1x8x128xf32>
        %reduce_max3A_140 = arith.constant dense<0xFF800000> : vector<1xf32>
        %reduce_max3A_141 = vector.multi_reduction <maximumf>, %reduce_max3A_139, %reduce_max3A_140 [1, 2] : vector<1x8x128xf32> to vector<1xf32>
        %reduce_max3A_142 = vector.shape_cast %reduce_max3A_141 : vector<1xf32> to vector<1x1x1xf32>
        %reduce_max3A_143 = vector.extract %reduce_max3A_142[0, 0, 0] : f32 from vector<1x1x1xf32>
        %broadcast_in_dim3A_144 = vector.broadcast %reduce_max3A_143 : f32 to vector<1x1xf32>
        %eq3A_145 = vector.broadcast %broadcast_in_dim3A_144 : vector<1x1xf32> to vector<8x128xf32>
        %eq3A_146 = arith.cmpf oeq, %scan3A_44, %eq3A_145 : vector<8x128xf32>
        %jit3A_147 = arith.constant 1024 : i32
        %broadcast_in_dim3A_148 = vector.broadcast %jit3A_147 : i32 to vector<8x128xi32>
        %select_n3A_149 = arith.select %eq3A_146, %add3A, %broadcast_in_dim3A_148 : vector<8x128xi1>, vector<8x128xi32>
        %reduce_min3A_150 = vector.shape_cast %select_n3A_149 : vector<8x128xi32> to vector<1x8x128xi32>
        %reduce_min3A_151 = arith.constant dense<2147483647> : vector<1xi32>
        %reduce_min3A_152 = vector.multi_reduction <minsi>, %reduce_min3A_150, %reduce_min3A_151 [1, 2] : vector<1x8x128xi32> to vector<1xi32>
        %reduce_min3A_153 = vector.shape_cast %reduce_min3A_152 : vector<1xi32> to vector<1x1x1xi32>
        %reduce_min3A_154 = vector.extract %reduce_min3A_153[0, 0, 0] : i32 from vector<1x1x1xi32>
        %broadcast_in_dim3A_155 = vector.broadcast %reduce_min3A_154 : i32 to vector<1x1xi32>
        %add3A_156 = arith.constant 64 : i32
        %add3A_157 = arith.addi %scan3A_40, %add3A_156 : i32
        %eq3A_158 = vector.broadcast %add3A_157 : i32 to vector<8x128xi32>
        %eq3A_159 = arith.cmpi eq, %add3A, %eq3A_158 : vector<8x128xi32>
        %add3A_160 = arith.constant 3076 : i32
        %add3A_161 = vector.broadcast %add3A_160 : i32 to vector<1x1xi32>
        %add3A_162 = arith.addi %broadcast_in_dim3A_155, %add3A_161 : vector<1x1xi32>
        %broadcast_in_dim3A_163 = vector.shape_cast %add3A_162 : vector<1x1xi32> to vector<1x1xi32>
        %broadcast_in_dim3A_164 = vector.broadcast %broadcast_in_dim3A_163 : vector<1x1xi32> to vector<8x128xi32>
        %select_n3A_165 = arith.select %eq3A_159, %broadcast_in_dim3A_164, %select_n3A_133 : vector<8x128xi1>, vector<8x128xi32>
        %eq3A_166 = vector.broadcast %broadcast_in_dim3A_155 : vector<1x1xi32> to vector<8x128xi32>
        %eq3A_167 = arith.cmpi eq, %add3A, %eq3A_166 : vector<8x128xi32>
        %jit3A_168 = arith.constant 0xFF800000 : f32
        %broadcast_in_dim3A_169 = vector.broadcast %jit3A_168 : f32 to vector<8x128xf32>
        %select_n3A_170 = arith.select %eq3A_167, %broadcast_in_dim3A_169, %scan3A_44 : vector<8x128xi1>, vector<8x128xf32>
        scf.yield %select_n3A_74, %select_n3A_106, %select_n3A_138, %select_n3A_170, %select_n3A_101, %select_n3A_165 : vector<8x128xf32>, vector<8x128xf32>, vector<8x128xf32>, vector<8x128xf32>, vector<8x128xi32>, vector<8x128xi32>
      }
      %scan3A_33 = arith.constant 64 : i32
      %slice3A = vector.extract_strided_slice %scan3A_32#4 {offsets = [0, 0], sizes = [1, 128], strides = [1, 1]} : vector<8x128xi32> to vector<1x128xi32>
      %swap3A = arith.constant 0 : index
      %swap3A_34 = arith.constant 0 : index
      %swap3A_35 = vector.load %arg3[%swap3A, %swap3A_34] : memref<2x128xi32, #tpu.memory_space<vmem>>, vector<1x128xi32>
      tpu.vector_store %arg3[%swap3A, %swap3A_34], %slice3A {strides = array<i32>} : memref<2x128xi32, #tpu.memory_space<vmem>>, vector<1x128xi32>,
      %slice3A_36 = vector.extract_strided_slice %scan3A_32#5 {offsets = [0, 0], sizes = [1, 128], strides = [1, 1]} : vector<8x128xi32> to vector<1x128xi32>
      %swap3A_37 = arith.constant 1 : index
      %swap3A_38 = arith.constant 0 : index
      %swap3A_39 = vector.load %arg3[%swap3A_37, %swap3A_38] : memref<2x128xi32, #tpu.memory_space<vmem>>, vector<1x128xi32>
      tpu.vector_store %arg3[%swap3A_37, %swap3A_38], %slice3A_36 {strides = array<i32>} : memref<2x128xi32, #tpu.memory_space<vmem>>, vector<1x128xi32>,
    } else {
    }
    return
  }
  func.func @transform_0(%arg0: i32) -> (i32, i32, i32) {
    %min3A = arith.constant 3 : i32
    %min3A_0 = arith.minsi %arg0, %min3A : i32
    %c0_i32 = arith.constant 0 : i32
    %c0_i32_1 = arith.constant 0 : i32
    %c0_i32_2 = arith.constant 0 : i32
    return %min3A_0, %c0_i32, %c0_i32_1 : i32, i32, i32
  }
  func.func @transform_1(%arg0: i32) -> (i32, i32, i32) {
    %min3A = arith.constant 3 : i32
    %min3A_0 = arith.minsi %arg0, %min3A : i32
    %c0_i32 = arith.constant 0 : i32
    %c0_i32_1 = arith.constant 0 : i32
    %c0_i32_2 = arith.constant 0 : i32
    return %min3A_0, %c0_i32, %c0_i32_1 : i32, i32, i32
  }
  func.func @transform_2(%arg0: i32) -> (i32, i32) {
    %c0_i32 = arith.constant 0 : i32
    %c0_i32_0 = arith.constant 0 : i32
    %c0_i32_1 = arith.constant 0 : i32
    return %c0_i32, %c0_i32_0 : i32, i32
  }
}

</mosaic_0001>

<sc_bundles>
// kernel: kernel.4.cloned.1.call-start
scs
__scs_entry_jumppad:
0x0: {  	(pc) =	sbr.rel $0x88, $3  }
0x1: {  	(tag) =	ssettag $0x0;
	lr =	simm.s32 $0x1  }
0x2: {  	[smem:$0x3F9E] =	sst lr;
	_ =	strace $0xD0000000  }
0x3: {  	_ = 	snop  }
0x4: {  	_ = 	snop  }
0x5: {  	_ = 	snop  }
0x6: {  	_ = 	snop  }
0x7: {  	_ = 	snop  }
__scs_overlays_trampoline_lowered:
0x8: {  	[smem:$0x3FAD] =	sst s0  }
0x9: {  	[smem:$0x3FAE] =	sst s1  }
0xa: {  	[smem:$0x3FAF] =	sst s2  }
0xb: {  	[smem:$0x3FB0] =	sst s3  }
0xc: {  	[smem:$0x3FB1] =	sst s4  }
0xd: {  	[smem:$0x3FB2] =	sst s5  }
0xe: {  	[smem:$0x3FB3] =	sst s6  }
0xf: {  	[smem:$0x3FB4] =	sst s7  }
0x10: {  	[smem:$0x3FB5] =	sst s8  }
0x11: {  	[smem:$0x3FB6] =	sst s9;
	s0 =	simm.s32 @!p0 $0x0  }
0x12: {  	s1 =	sld [smem:$0x3F9C];
	s0 =	simm.s32 @p0 $0x1  }
0x13: {  	[smem:$0x3FB7] =	sst s0;
	s0 =	simm.s32 @!p1 $0x0  }
0x14: {  	s2 =	sld [smem:$0x3F9B];
	s0 =	simm.s32 @p1 $0x1  }
0x15: {  	[smem:$0x3FB8] =	sst s0;
	s0 =	simm.s32 @!p2 $0x0  }
0x16: {  	s3 =	sld [smem:$0x3FDB];
	s0 =	simm.s32 @p2 $0x1  }
0x17: {  	s4 =	simm.s32 $0x1BF5;
	[smem:$0x3FBA] =	sst s0  }
0x18: {  	s0 =	sld [smem:$0x3F9D];
	_ =	swait.ge [sflag:s4], $0x0  }
0x19: {  	s7 =	sld [smem:$0x3F9E]  }
0x1a: {  	s8 =	sadd.s32 $0xFFFFE003, lr  }
0x1b: {  	s9 =	sadd.s32 $0xFFFFFEF7, lr;
	s5 =	simm.s32 $0xFFFFFFFF;
	p2 =	slt.u32 s8, $0xFFFFF086  }
0x1c: {  	p1 =	slt.u32 s9, $0xF7A;
	s5 =	simm.s32 @!p2 $0x0  }
0x1d: {  	s5 =	simm.s32 @p1 $0x1;
	p0 =	seq.s32 s7, s2  }
0x1e: {  	s7 =	smul.u32 @!p0 $0xF7A, s2;
	p2 =	seq.s32 @!p0 s5, $0x0  }
0x1f: {  	s9 =	smul.u32 $0xF7A, s1;
	s8 =	simm.s32 @!p0 $0x1BF5;
	p2 =	por !p2, p0  }
0x20: {  	[sflag:s8] =	ssyncset.s32 @!p0 $0xFFFFF086;
	s6 =	sadd.s32 @!p0 s3, s7;
	s7 =	simm.s32 @!p0 $0x108  }
0x21: {  	s3 =	sadd.s32 s3, s9;
	s6 =	sadd.s32 @!p0 $0x88, s6;
	s7 =	simm.s32 @p2 $0x1082  }
0x22: {  	[simem:s7], [sflag:s8] =	dma.local @!p0 [hbm:s6], $0xF7A  }
0x23: {  	s9 =	sor.u32 $0xD0000000, s2;
	s6 =	simm.s32 $0x108;
	_ =	swait.ge @!p0 [sflag:s8], $0x0  }
0x24: {  	s3 =	sadd.s32 $0x88, s3;
	s6 =	simm.s32 @!p1 $0x1082;
	[sflag:s4] =	ssyncset.s32 $0xFFFFF086  }
0x25: {  	[simem:s6], [sflag:s4] =	dma.local [hbm:s3], $0xF7A  }
0x26: {  	[smem:$0x3F9E] =	sst s1;
	(tag) =	ssettag s2;
	_ =	strace s9  }
0x27: {  	s1 =	sld [smem:$0x3FAE]  }
0x28: {  	s2 =	sld [smem:$0x3FAF]  }
0x29: {  	s4 =	sld [smem:$0x3FB1]  }
0x2a: {  	p0 =	seq.s32 s5, $0x0;
	s5 =	sld [smem:$0x3FB2]  }
0x2b: {  	s6 =	sld [smem:$0x3FB3]  }
0x2c: {  	s7 =	sld [smem:$0x3FB4]  }
0x2d: {  	s3 =	simm.s32 $0x108;
	s8 =	sld [smem:$0x3FB5]  }
0x2e: {  	s3 =	simm.s32 @!p0 $0x1082;
	s9 =	sld [smem:$0x3FB6]  }
0x2f: {  	lr =	sadd.s32 s0, s3;
	s0 =	sld [smem:$0x3FAD]  }
0x30: {  	s3 =	sld [smem:$0x3FB0]  }
0x31: {  	[smem:$0x3FB9] =	sst s10  }
0x32: {  	s10 =	sld [smem:$0x3FB7];
	_ =	sdelay $0x3  }
0x33: {  	p0 =	seq.s32 s10, $0x1;
	s10 =	sld [smem:$0x3FB9];
	_ =	sdelay $0x3  }
0x34: {  	[smem:$0x3FB9] =	sst s10  }
0x35: {  	s10 =	sld [smem:$0x3FB8];
	_ =	sdelay $0x3  }
0x36: {  	p1 =	seq.s32 s10, $0x1;
	s10 =	sld [smem:$0x3FB9];
	_ =	sdelay $0x3  }
0x37: {  	[smem:$0x3FB9] =	sst s10  }
0x38: {  	s10 =	sld [smem:$0x3FBA]  }
0x39: {  	_ = 	snop;
	(pc) =	sbr.ind lr, $3  }
0x3a: {  	_ = 	snop  }
0x3b: {  	_ = 	snop  }
0x3c: {  	p2 =	seq.s32 s10, $0x1;
	s10 =	sld [smem:$0x3FB9]  }
0x3d: {  	_ =	shalt  }
0x3e: {  	_ =	shalt  }
0x3f: {  	_ =	shalt  }
0x40: {  	_ =	shalt  }
0x41: {  	_ =	shalt  }
0x42: {  	_ =	shalt  }
0x43: {  	_ =	shalt  }
0x44: {  	_ =	shalt  }
0x45: {  	_ =	shalt  }
0x46: {  	_ =	shalt  }
0x47: {  	_ =	shalt  }
0x48: {  	_ =	shalt  }
0x49: {  	_ =	shalt  }
0x4a: {  	_ =	shalt  }
0x4b: {  	_ =	shalt  }
0x4c: {  	_ =	shalt  }
0x4d: {  	_ =	shalt  }
0x4e: {  	_ =	shalt  }
0x4f: {  	_ =	shalt  }
0x50: {  	_ =	shalt  }
0x51: {  	_ =	shalt  }
0x52: {  	_ =	shalt  }
0x53: {  	_ =	shalt  }
0x54: {  	_ =	shalt  }
0x55: {  	_ =	shalt  }
0x56: {  	_ =	shalt  }
0x57: {  	_ =	shalt  }
0x58: {  	_ =	shalt  }
0x59: {  	_ =	shalt  }
0x5a: {  	_ =	shalt  }
0x5b: {  	_ =	shalt  }
0x5c: {  	_ =	shalt  }
0x5d: {  	_ =	shalt  }
0x5e: {  	_ =	shalt  }
0x5f: {  	_ =	shalt  }
0x60: {  	_ =	shalt  }
0x61: {  	_ =	shalt  }
0x62: {  	_ =	shalt  }
0x63: {  	_ =	shalt  }
0x64: {  	_ =	shalt  }
0x65: {  	_ =	shalt  }
0x66: {  	_ =	shalt  }
0x67: {  	_ =	shalt  }
0x68: {  	_ =	shalt  }
0x69: {  	_ =	shalt  }
0x6a: {  	_ =	shalt  }
0x6b: {  	_ =	shalt  }
0x6c: {  	_ =	shalt  }
0x6d: {  	_ =	shalt  }
0x6e: {  	_ =	shalt  }
0x6f: {  	_ =	shalt  }
0x70: {  	_ =	shalt  }
0x71: {  	_ =	shalt  }
0x72: {  	_ =	shalt  }
0x73: {  	_ =	shalt  }
0x74: {  	_ =	shalt  }
0x75: {  	_ =	shalt  }
0x76: {  	_ =	shalt  }
0x77: {  	_ =	shalt  }
0x78: {  	_ =	shalt  }
0x79: {  	_ =	shalt  }
0x7a: {  	_ =	shalt  }
0x7b: {  	_ =	shalt  }
0x7c: {  	_ =	shalt  }
0x7d: {  	_ =	shalt  }
0x7e: {  	_ =	shalt  }
0x7f: {  	_ =	shalt  }
0x80: {  	_ =	shalt  }
0x81: {  	_ =	shalt  }
0x82: {  	_ =	shalt  }
0x83: {  	_ =	shalt  }
0x84: {  	_ =	shalt  }
0x85: {  	_ =	shalt  }
0x86: {  	_ =	shalt  }
0x87: {  	_ =	shalt  }
.Lfunc_end0:
.L_simem_size_0:
called_computation_lowered:
.L_overlay_start_0:
0x88: {  	s2 =	sld [smem:$0x3FD9]  }
0x89: {  	s3 =	sld [smem:$0x3FFE];
	_ =	sdelay $0x1  }
0x8a: {  	s1 =	srdreg.scid  }
0x8b: {  	s0 =	sand.u32 $0x1, s1  }
0x8c: {  	s17 =	sshll.u32 s0, $0xA;
	s2 =	sadd.s32 s3, s2  }
0x8d: {  	s2 =	sadd.s32 s2, s17  }
0x8e: {  	[smem:$0x3FC5] =	sst s2  }
0x8f: {  	_ = 	snop  }
0x90: {  	s2 =	sld [smem:$0x3FD0];
	(tm) =	ssettm $0x1  }
0x91: {  	s18 =	sld [smem:$0x3FFB];
	_ =	sdelay $0x3  }
0x92: {  	_ =	strace s18  }
0x93: {  	s3 =	sld [smem:$0x3FFC];
	_ =	sdelay $0x3  }
0x94: {  	_ =	strace s3  }
0x95: {  	s3 =	sld [smem:$0x3FFD];
	_ =	sdelay $0x3  }
0x96: {  	_ =	strace s3  }
0x97: {  	_ =	strace $0x8FFFFFFF  }
0x98: {  	s19 =	sld [smem:$0x3FDB];
	_ =	sdelay $0x1  }
0x99: {  	s4 =	simm.s32 $_scs_section_size  }
0x9a: {  	s5 =	simm.s32 $_size__tile_overlayer_lowered;
	s6 =	simm.s32 $_tile_overlayer_lowered  }
0x9b: {  	s22 =	simm.s32 $0x1BFF;
	s21 =	sshll.u32 s6, $0x1;
	s3 =	sadd.s32 s4, s19  }
0x9c: {  	s7 =	simm.s32 $0x0;
	s20 =	sshll.u32 s5, $0x1;
	s5 =	sadd.s32 s21, s3  }
0x9d: {  	[timem:s7], [sflag:s22] =	dma.local [hbm:s5], s20  }
0x9e: {  	_ =	swait.ge [sflag:s22], s20  }
0x9f: {  	s4 =	ssub.s32 $0x0, s20;
	[sflag:s22] =	ssyncset.done $0x0  }
0xa0: {  	[sflag:s22] =	ssyncadd.s32 s4;
	_ =	sdelay $0x1  }
0xa1: {  	s23 =	simm.s32 $0x1B8B  }
0xa2: {  	_ =	swait.ge [sflag:s23], $0x1  }
0xa3: {  	[sflag:s23] =	ssyncset.done $0x0  }
0xa4: {  	s25 =	simm.s32 $0x1B8E;
	s24 =	sld [smem:$0x3FFE];
	[sflag:s23] =	ssyncadd.s32 $0xFFFFFFFF  }
0xa5: {  	s26 =	simm.s32 $execute0_lowered;
	[smem:$0x3FD2] =	sst s25  }
0xa6: {  	s5 =	sshll.u32 s26, $0x1;
	_ =	strace $0x80000046;
	[dreg:$0x1] =	wrdreg $0xFFFFFFFF  }
0xa7: {  	s28 =	simm.s32 $_size_execute0_lowered;
	s3 =	sadd.s32 s3, s5;
	[dreg:$0x0] =	wrdreg $0x0  }
0xa8: {  	s5 =	sshll.u32 s28, $0x1;
	[dreg:$0x2] =	wrdreg s3  }
0xa9: {  	[dreg:$0x3] =	wrdreg s5  }
0xaa: {  	[dreg:$0x4] =	wrdreg $0xC0  }
0xab: {  	_ =	task [dreg:s7], $0x5FFFF  }
0xac: {  	[dreg:$0x1] =	wrdreg $0xFFFFFFFF  }
0xad: {  	[dreg:$0x0] =	wrdreg $0x60  }
0xae: {  	[dreg:$0x2] =	wrdreg s24  }
0xaf: {  	[dreg:$0x3] =	wrdreg s2  }
0xb0: {  	[dreg:$0x4] =	wrdreg $0x9  }
0xb1: {  	_ =	task.clear_ibuf [dreg:s7], $0x5FFFF;
	_ =	strace $0x90000046  }
0xb2: {  	s29 =	simm.s32 $0x9;
	_ =	strace $0x80000048  }
0xb3: {  	_ =	swait.ge [sflag:s29], $0x1  }
0xb4: {  	[sflag:s29] =	ssyncadd.s32 $0xFFFFFFFF  }
0xb5: {  	_ =	strace $0x90000048  }
0xb6: {  	_ =	sfence  }
0xb7: {  	s30 =	sld [smem:$0x0];
	_ =	sdelay $0x2  }
0xb8: {  	s31 =	sshll.u32 s1, $0xD;
	s1 =	sshrl.u32 s1, $0x2  }
0xb9: {  	s3 =	sand.u32 $0x4000, s31;
	s1 =	sadd.s32 s1, s30  }
0xba: {  	s0 =	sor.u32 s3, s0;
	s1 =	sshll.u32 s1, $0x11  }
0xbb: {  	s0 =	sor.u32 s1, s0  }
0xbc: {  	s0 =	sadd.s32 $0x8F2B, s0  }
0xbd: {  	[sflag:s0] =	ssyncadd.remote.s32 $0x1  }
0xbe: {  	_ =	sfence.sel $0xFFFF  }
0xbf: {  	[dreg:$0x0] =	wrdreg $0xFFFFFFFF;
	(pc) =	sbr.abs _section_cstart, $3  }
0xc0: {  	[dreg:$0x1] =	wrdreg $0xFFFFFFFF  }
0xc1: {  	_ =	task.clear_ibuf [dreg:s7], $0x2FFFF;
	_ =	strace $0x9FFFFFFF  }
0xc2: {  	(tm) =	ssettm $0x7FFFFFFF  }
0xc3: {  	_ =	shalt  }
tec
execute0_lowered:
.L_overlay_start_1:
0x0: {  	(tag) =	ssettag $0x1  }
0x1: {  	s1 =	srdreg.scid  }
0x2: {  	s0 =	stileid.u32;
	s6 =	sand.u32 $0x1, s1  }
0x3: {  	s5 =	rddreg [dreg:$0x0];
	s30 =	sshll.u32 s0, $0x4;
	s2 =	sshll.u32 s6, $0x3  }
0x4: {  	s8 =	rddreg [dreg:$0x1];
	s9 =	sor.u32 s2, s30  }
0x5: {  	s1 =	rddreg [dreg:$0x2];
	s2 =	simm.s32 $0x0;
	s3 =	sshrl.u32 s9, $0x3  }
0x6: {  	s10 =	ssub.s32 $0x2, s6;
	[smem:$0x7FF] =	sst s2;
	s3 =	sadd.s32 s3, s5  }
0x7: {  	_ =	strace $0x80000047;
	s4 =	sadd.s32 $0x18E00, s3;
	s3 =	simm.s32 $0x2  }
0x8: {  	[tilespmem:s2], [sflag:$0x2] =	stream.linear.gather [hbm4b:s4+s2], $0x8, $0x38;
	[tilespmem:$0x608] =	vst v63  }
0x9: {  	s7 =	simm.s32 $0x1;
	s11 =	sshrl.u32 s10, $0x1;
	_ =	swait.ge [sflag:s3], $0x8  }
0xa: {  	s6 =	simm.s32 $0x8;
	s10 =	ssub.s32 s10, s11;
	[sflag:s3] =	ssyncset.done $0x0  }
0xb: {  	s5 =	sadd.s32 $0xC00, s5;
	s31 =	smax.u32 s10, $0x1;
	[sflag:s3] =	ssyncadd.s32 $0xFFFFFFF8  }
0xc: {  	[tilespmem:s6], [sflag:$0x1] =	stream.indirect.gather [hbm4b:s5+s6], $0xC0, s2, s6, $0xb8;
	[tilespmem:$0x608] =	vst v63  }
0xd: {  	s9 =	smul.u32 $0x18, s9;
	p0 =	sne.s32 s31, $0x1;
	_ =	swait.ge [sflag:s7], $0x600  }
.Ltmp0:
0xe: {  	[sflag:s7] =	ssyncset.done $0x0;
	(pc) =	sbr.rel @!p0 .LBB2_2-.Ltmp0, $4  }
0xf: {  	s8 =	sadd.s32 s8, s9;
	[sflag:s7] =	ssyncadd.s32 $0xFFFFFA00  }
0x10: {  	[hbm4b:s8+s2] =	stream.linear.scatter [tilespmem:s6], [sflag:$0x2], $0x600, $0x38;
	[tilespmem:$0x608] =	vst v63  }
0x11: {  	_ =	swait.ge [sflag:s3], $0x600  }
0x12: {  	s9 =	sadd.s32 $0xFFFFFFFF, s31;
	[sflag:s3] =	ssyncset.done $0x0  }
.LBB2_1:
0x13: {  	p0 =	sne.s32 s9, $0x1;
	s9 =	sadd.s32 $0xFFFFFFFF, s9;
	[sflag:s3] =	ssyncadd.s32 $0xFFFFFA00  }
0x14: {  	[tilespmem:s2], [sflag:$0x2] =	stream.linear.gather [hbm4b:s4+s2], $0x8, $0x38;
	[tilespmem:$0x608] =	vst v63  }
0x15: {  	_ =	swait.ge [sflag:s3], $0x8  }
0x16: {  	[sflag:s3] =	ssyncset.done $0x0  }
0x17: {  	[sflag:s3] =	ssyncadd.s32 $0xFFFFFFF8  }
0x18: {  	[tilespmem:s6], [sflag:$0x1] =	stream.indirect.gather [hbm4b:s5+s6], $0xC0, s2, s6, $0xb8;
	[tilespmem:$0x608] =	vst v63  }
0x19: {  	_ =	swait.ge [sflag:s7], $0x600  }
.Ltmp1:
0x1a: {  	[sflag:s7] =	ssyncset.done $0x0;
	(pc) =	sbr.rel @p0 .LBB2_1-.Ltmp1, $4  }
0x1b: {  	[sflag:s7] =	ssyncadd.s32 $0xFFFFFA00  }
0x1c: {  	[hbm4b:s8+s2] =	stream.linear.scatter [tilespmem:s6], [sflag:$0x2], $0x600, $0x38;
	[tilespmem:$0x608] =	vst v63  }
0x1d: {  	_ =	swait.ge [sflag:s3], $0x600  }
0x1e: {  	[sflag:s3] =	ssyncset.done $0x0  }
.LBB2_2:
0x1f: {  	[sflag:s3] =	ssyncadd.s32 $0xFFFFFA00  }
0x20: {  	_ =	sfence.sel $0x180000  }
0x21: {  	[bflag:$0x0] =	sbarrier.arrive $0xFFFF  }
0x22: {  	p0 =	sne.s32 s0, $0x0;
	_ =	strace $0x90000047  }
0x23: {  	s0 =	sadd.s32 @!p0 $0x100000, s1;
	[bflag:$0x2] =	sbarrier.arrive $0xFFFF  }
0x24: {  	[sflag:s0] =	ssyncadd.tile.s32 @!p0 $0x1;
	_ =	shalt  }
.Lfunc_end2:
_tile_overlayer_lowered:
.L_overlay_start_2:
0x25: {  	(tag) =	ssettag $0x2  }
0x26: {  	s0 =	rddreg [dreg:$0x0];
	s2 =	stileid.u32  }
0x27: {  	s1 =	rddreg [dreg:$0x1];
	p0 =	sne.s32 s2, $0x0  }
0x28: {  	s3 =	rddreg [dreg:$0x2];
	[bflag:$0x3] =	sbarrier.arrive $0xFFFF;
	s2 =	simm.s32 @!p0 $0x1C02  }
0x29: {  	[timem:s3], [sflag:s2] =	dma.local @!p0 [hbm:s0], s1  }
0x2a: {  	s0 =	simm.s32 @!p0 $0x2  }
0x2b: {  	_ =	swait.ge @!p0 [sflag:s0], s1  }
0x2c: {  	s1 =	ssub.s32 @!p0 $0x0, s1;
	[sflag:s0] =	ssyncset.done @!p0 $0x0  }
0x2d: {  	[sflag:s0] =	ssyncadd.s32 @!p0 s1  }
0x2e: {  	[bflag:$0x3] =	sbarrier.arrive $0xFFFF  }
0x2f: {  	_ =	shalt  }

</sc_bundles>
